<compile_context>
chip_gen: v7x
topology: tpu7x:2x2x1
jax: 0.10.2.dev20260603
libtpu: 0.0.44.dev20260713+nightly
codegen_flags: <defaults>
</compile_context>

<pallas_src>
import functools

import jax
import jax.numpy as jnp
from jax import lax
from jax.experimental import pallas as pl
from jax.experimental.pallas import tpu as pltpu
from jax.experimental.pallas import tpu_sc as plsc

_BATCH = 16384
_NC = 1
_NS = 16
_LANES = 16
_NW = _NC * _NS
_CHUNK = _BATCH // _NW


def _lane0_broadcast(vec):
    return lax.gather(
        vec, jnp.zeros((_LANES, 1), jnp.int32),
        dimension_numbers=lax.GatherDimensionNumbers(
            offset_dims=(), collapsed_slice_dims=(0,), start_index_map=(0,)),
        slice_sizes=(1,),
        mode=lax.GatherScatterMode.PROMISE_IN_BOUNDS)


def _sc_body(tau_hbm, idx_hbm, theta_hbm, mu_hbm, out_hbm,
             idx_v, th_v, mu_v, tau_v, tau_sem, gather_sem):
    wid = lax.axis_index("s") * _NC + lax.axis_index("c")
    base = wid * _CHUNK
    idx_v[...] = jnp.zeros((_LANES,), jnp.int32)
    idx_cp = pltpu.async_copy(idx_hbm, idx_v.at[pl.ds(0, 1)], gather_sem)
    tau_cp = pltpu.async_copy(tau_hbm.at[pl.ds(base, _CHUNK)], tau_v, tau_sem)
    idx_cp.wait()
    th_cp = pltpu.async_copy(theta_hbm.at[idx_v], th_v, gather_sem)
    mu_cp = pltpu.async_copy(mu_hbm.at[idx_v], mu_v, gather_sem)
    th_cp.wait()
    mu_cp.wait()
    th = _lane0_broadcast(th_v[...])
    m = _lane0_broadcast(mu_v[...])
    tau_cp.wait()

    @plsc.parallel_loop(0, _CHUNK, _LANES, unroll=2)
    def _compute(off):
        x = tau_v[pl.ds(off, _LANES)]
        z = th + m * x
        tau_v[pl.ds(off, _LANES)] = 1.0 / (1.0 + jnp.exp(-z))

    pltpu.sync_copy(tau_v, out_hbm.at[pl.ds(base, _CHUNK)])


@functools.partial(
    pl.kernel,
    mesh=plsc.VectorSubcoreMesh(core_axis_name="c", subcore_axis_name="s",
                                num_cores=_NC),
    out_type=jax.ShapeDtypeStruct((_BATCH,), jnp.float32),
    scratch_types=[
        pltpu.VMEM((_LANES,), jnp.int32),
        pltpu.VMEM((_LANES,), jnp.float32),
        pltpu.VMEM((_LANES,), jnp.float32),
        pltpu.VMEM((_CHUNK,), jnp.float32),
        pltpu.SemaphoreType.DMA,
        pltpu.SemaphoreType.DMA,
    ],
)
def _sc_kernel(*refs):
    _sc_body(*refs)


def kernel(tau, inputs, theta, mu):
    return _sc_kernel(tau, inputs, theta, mu)

# --- scband reference (transcript-rebuilt; emitter-appended) ---
"""Pipeline reference for scband-embed-handler-13778255086057 (READ-ONLY COPY).

The authoritative reference and input builder live on the scoring server;
editing this copy changes nothing except your own understanding.
"""

import jax, jax.numpy as jnp
import numpy as np

ACTIONS = 1000000
BATCH = 16384

def setup_inputs(seed: int = 0) -> dict:
    key = jax.random.key(seed)
    k1, k2, k3, k4 = jax.random.split(key, 4)
    tau = jax.random.normal(k1, (BATCH,), dtype=jnp.float32)
    inputs = jax.random.randint(k2, (1,), 0, ACTIONS, dtype=jnp.int32)
    # Learned parameters sized per init_kwargs (actions_count); the torch module
    # initializes them to zeros but initWeights() uses uniform(-0.5, 0.5), so use
    # uniform values for a non-degenerate reference.
    theta = jax.random.uniform(k3, (ACTIONS,), minval=-0.5, maxval=0.5, dtype=jnp.float32)
    mu = jax.random.uniform(k4, (ACTIONS,), minval=-0.5, maxval=0.5, dtype=jnp.float32)
    return {"tau": tau, "inputs": inputs, "theta": theta, "mu": mu}

def reference(tau, inputs, theta, mu):
    # inputs has rank 1 -> ix = inputs[0] (matches torch branch)
    ix = inputs[0]
    # gather a single scalar from each parameter table (embedding-style lookup)
    th = jnp.take(theta, ix)
    m = jnp.take(mu, ix)
    return jax.nn.sigmoid(th + m * tau)

if __name__ == "__main__":
    import jax
    _d = setup_inputs()
    print(jax.jit(kernel)(*tuple(_d.values())))

</pallas_src>

<mosaic_0001>
#map = affine_map<(d0, d1) -> (0)>
module attributes {stable_mosaic.version = 14 : i64} {
  func.func @_sc_kernel(%arg0: i32, %arg1: i32, %arg2: memref<16384xf32, #tpu.memory_space<hbm>>, %arg3: memref<1xi32, #tpu.memory_space<hbm>>, %arg4: memref<1000000xf32, #tpu.memory_space<hbm>>, %arg5: memref<1000000xf32, #tpu.memory_space<hbm>>, %arg6: memref<16384xf32, #tpu.memory_space<hbm>>, %arg7: memref<16xi32, #tpu.memory_space<vmem>>, %arg8: memref<16xf32, #tpu.memory_space<vmem>>, %arg9: memref<16xf32, #tpu.memory_space<vmem>>, %arg10: memref<1024xf32, #tpu.memory_space<vmem>>, %arg11: memref<!tpu.dma_semaphore, #tpu.memory_space<semaphore_mem>>, %arg12: memref<!tpu.dma_semaphore, #tpu.memory_space<semaphore_mem>>) attributes {dimension_semantics = [#tpu.dimension_semantics<core_parallel>, #tpu.dimension_semantics<subcore_parallel>], iteration_bounds = array<i64: 1, 16>, scalar_prefetch = 0 : i64, scratch_operands = 6 : i64, tpu.core_type = #tpu.core_type<sc_vector_subcore>, window_params = [{transform_indices = #map}, {transform_indices = #map}, {transform_indices = #map}, {transform_indices = #map}, {transform_indices = #map}]} {
    %mul3A = arith.constant 1 : i32
    %mul3A_0 = arith.muli %arg1, %mul3A : i32
    %add3A = arith.addi %mul3A_0, %arg0 : i32
    %mul3A_1 = arith.constant 1024 : i32
    %mul3A_2 = arith.muli %add3A, %mul3A_1 : i32
    %broadcast_in_dim3A = arith.constant 0 : i32
    %broadcast_in_dim3A_3 = vector.broadcast %broadcast_in_dim3A : i32 to vector<16xi32>
    %swap3A = arith.constant 0 : index
    %swap3A_4 = tpu.vector_load %arg7[%swap3A] {strides = array<i32>} : memref<16xi32, #tpu.memory_space<vmem>>, vector<16xi32>,
    %swap3A_5 = vector.shape_cast %swap3A_4 : vector<16xi32> to vector<16xi32>
    %swap3A_6 = vector.shape_cast %broadcast_in_dim3A_3 : vector<16xi32> to vector<16xi32>
    tpu.vector_store %arg7[%swap3A], %swap3A_6 {strides = array<i32>} : memref<16xi32, #tpu.memory_space<vmem>>, vector<16xi32>,
    %dma_start3A = arith.constant 0 : i32
    %dma_start3A_7 = tpu.memref_slice %arg7[%dma_start3A] : memref<16xi32, #tpu.memory_space<vmem>> -> memref<1xi32, #tpu.memory_space<vmem>>
    %dma_start3A_8 = arith.constant 0 : i32
    %dma_start3A_9 = tpu.memref_slice %arg7[%dma_start3A_8] : memref<16xi32, #tpu.memory_space<vmem>> -> memref<1xi32, #tpu.memory_space<vmem>>
    tpu.enqueue_dma source(%arg3 : memref<1xi32, #tpu.memory_space<hbm>>) target(%dma_start3A_9 : memref<1xi32, #tpu.memory_space<vmem>>) target_semaphore(%arg12 : memref<!tpu.dma_semaphore, #tpu.memory_space<semaphore_mem>>)
    %dma_start3A_10 = tpu.memref_slice %arg2[%mul3A_2] : memref<16384xf32, #tpu.memory_space<hbm>> -> memref<1024xf32, #tpu.memory_space<hbm>>
    %dma_start3A_11 = tpu.memref_slice %arg2[%mul3A_2] : memref<16384xf32, #tpu.memory_space<hbm>> -> memref<1024xf32, #tpu.memory_space<hbm>>
    tpu.enqueue_dma source(%dma_start3A_11 : memref<1024xf32, #tpu.memory_space<hbm>>) target(%arg10 : memref<1024xf32, #tpu.memory_space<vmem>>) target_semaphore(%arg11 : memref<!tpu.dma_semaphore, #tpu.memory_space<semaphore_mem>>)
    %dma_wait3A = arith.constant 0 : i32
    %dma_wait3A_12 = tpu.memref_slice %arg7[%dma_wait3A] : memref<16xi32, #tpu.memory_space<vmem>> -> memref<1xi32, #tpu.memory_space<vmem>>
    %dma_wait3A_13 = arith.constant 0 : i32
    %dma_wait3A_14 = tpu.memref_slice %arg7[%dma_wait3A_13] : memref<16xi32, #tpu.memory_space<vmem>> -> memref<1xi32, #tpu.memory_space<vmem>>
    tpu.wait_dma2 semaphore(%arg12 : memref<!tpu.dma_semaphore, #tpu.memory_space<semaphore_mem>>) src(%arg3 : memref<1xi32, #tpu.memory_space<hbm>>) dst(%dma_wait3A_14 : memref<1xi32, #tpu.memory_space<vmem>>)
    %dma_start3A_15 = arith.constant 0 : i32
    %dma_start3A_16 = tpu.memref_slice %arg4[%dma_start3A_15] : memref<1000000xf32, #tpu.memory_space<hbm>> -> memref<1000000xf32, #tpu.memory_space<hbm>>
    tpu.enqueue_indirect_dma source(%dma_start3A_16 : memref<1000000xf32, #tpu.memory_space<hbm>>) target(%arg8 : memref<16xf32, #tpu.memory_space<vmem>>) offsets(%arg7 : memref<16xi32, #tpu.memory_space<vmem>>) semaphore(%arg12 : memref<!tpu.dma_semaphore, #tpu.memory_space<semaphore_mem>>)
    %dma_start3A_17 = arith.constant 0 : i32
    %dma_start3A_18 = tpu.memref_slice %arg5[%dma_start3A_17] : memref<1000000xf32, #tpu.memory_space<hbm>> -> memref<1000000xf32, #tpu.memory_space<hbm>>
    tpu.enqueue_indirect_dma source(%dma_start3A_18 : memref<1000000xf32, #tpu.memory_space<hbm>>) target(%arg9 : memref<16xf32, #tpu.memory_space<vmem>>) offsets(%arg7 : memref<16xi32, #tpu.memory_space<vmem>>) semaphore(%arg12 : memref<!tpu.dma_semaphore, #tpu.memory_space<semaphore_mem>>)
    %dma_wait3A_19 = arith.constant 0 : i32
    %dma_wait3A_20 = tpu.memref_slice %arg4[%dma_wait3A_19] : memref<1000000xf32, #tpu.memory_space<hbm>> -> memref<1000000xf32, #tpu.memory_space<hbm>>
    tpu.wait_indirect_dma semaphore(%arg12 : memref<!tpu.dma_semaphore, #tpu.memory_space<semaphore_mem>>) src(%dma_wait3A_20 : memref<1000000xf32, #tpu.memory_space<hbm>>) dst(%arg8 : memref<16xf32, #tpu.memory_space<vmem>>)
    %dma_wait3A_21 = arith.constant 0 : i32
    %dma_wait3A_22 = tpu.memref_slice %arg5[%dma_wait3A_21] : memref<1000000xf32, #tpu.memory_space<hbm>> -> memref<1000000xf32, #tpu.memory_space<hbm>>
    tpu.wait_indirect_dma semaphore(%arg12 : memref<!tpu.dma_semaphore, #tpu.memory_space<semaphore_mem>>) src(%dma_wait3A_22 : memref<1000000xf32, #tpu.memory_space<hbm>>) dst(%arg9 : memref<16xf32, #tpu.memory_space<vmem>>)
    %get3A = arith.constant 0 : index
    %get3A_23 = tpu.vector_load %arg8[%get3A] {strides = array<i32>} : memref<16xf32, #tpu.memory_space<vmem>>, vector<16xf32>,
    %get3A_24 = vector.shape_cast %get3A_23 : vector<16xf32> to vector<16xf32>
    %broadcast_in_dim3A_25 = arith.constant 0 : i32
    %broadcast_in_dim3A_26 = vector.broadcast %broadcast_in_dim3A_25 : i32 to vector<16x1xi32>
    %gather3A = vector.shape_cast %broadcast_in_dim3A_26 : vector<16x1xi32> to vector<16xi32>
    %gather3A_27 = tpu.dynamic_gather %get3A_24[%gather3A] in [0] : vector<16xf32>, vector<16xi32> -> vector<16xf32>
    %get3A_28 = arith.constant 0 : index
    %get3A_29 = tpu.vector_load %arg9[%get3A_28] {strides = array<i32>} : memref<16xf32, #tpu.memory_space<vmem>>, vector<16xf32>,
    %get3A_30 = vector.shape_cast %get3A_29 : vector<16xf32> to vector<16xf32>
    %broadcast_in_dim3A_31 = arith.constant 0 : i32
    %broadcast_in_dim3A_32 = vector.broadcast %broadcast_in_dim3A_31 : i32 to vector<16x1xi32>
    %gather3A_33 = vector.shape_cast %broadcast_in_dim3A_32 : vector<16x1xi32> to vector<16xi32>
    %gather3A_34 = tpu.dynamic_gather %get3A_30[%gather3A_33] in [0] : vector<16xf32>, vector<16xi32> -> vector<16xf32>
    %dma_wait3A_35 = tpu.memref_slice %arg2[%mul3A_2] : memref<16384xf32, #tpu.memory_space<hbm>> -> memref<1024xf32, #tpu.memory_space<hbm>>
    %dma_wait3A_36 = tpu.memref_slice %arg2[%mul3A_2] : memref<16384xf32, #tpu.memory_space<hbm>> -> memref<1024xf32, #tpu.memory_space<hbm>>
    tpu.wait_dma2 semaphore(%arg11 : memref<!tpu.dma_semaphore, #tpu.memory_space<semaphore_mem>>) src(%dma_wait3A_36 : memref<1024xf32, #tpu.memory_space<hbm>>) dst(%arg10 : memref<1024xf32, #tpu.memory_space<vmem>>)
    %parallel_loop3A = arith.constant 0 : i32
    %parallel_loop3A_37 = arith.constant 1024 : i32
    %parallel_loop3A_38 = arith.constant 16 : i32
    scf.for %parallel_loop3A_39 = %parallel_loop3A to %parallel_loop3A_37 step %parallel_loop3A_38  : i32 {
      %parallel_loop3A_40 = arith.index_cast %parallel_loop3A_39 : i32 to index
      %parallel_loop3A_41 = tpu.vector_load %arg10[%parallel_loop3A_40] {strides = array<i32>} : memref<1024xf32, #tpu.memory_space<vmem>>, vector<16xf32>,
      %parallel_loop3A_42 = vector.shape_cast %parallel_loop3A_41 : vector<16xf32> to vector<16xf32>
      %parallel_loop3A_43 = arith.mulf %gather3A_34, %parallel_loop3A_42 : vector<16xf32>
      %parallel_loop3A_44 = arith.addf %gather3A_27, %parallel_loop3A_43 : vector<16xf32>
      %parallel_loop3A_45 = arith.constant 0.000000e+00 : f32
      %parallel_loop3A_46 = vector.broadcast %parallel_loop3A_45 : f32 to vector<16xf32>
      %parallel_loop3A_47 = arith.subf %parallel_loop3A_46, %parallel_loop3A_44 : vector<16xf32>
      %parallel_loop3A_48 = math.exp %parallel_loop3A_47 : vector<16xf32>
      %parallel_loop3A_49 = arith.constant 1.000000e+00 : f32
      %parallel_loop3A_50 = vector.broadcast %parallel_loop3A_49 : f32 to vector<16xf32>
      %parallel_loop3A_51 = arith.addf %parallel_loop3A_50, %parallel_loop3A_48 : vector<16xf32>
      %parallel_loop3A_52 = arith.constant 1.000000e+00 : f32
      %parallel_loop3A_53 = vector.broadcast %parallel_loop3A_52 : f32 to vector<16xf32>
      %parallel_loop3A_54 = arith.divf %parallel_loop3A_53, %parallel_loop3A_51 : vector<16xf32>
      %parallel_loop3A_55 = arith.index_cast %parallel_loop3A_39 : i32 to index
      %parallel_loop3A_56 = tpu.vector_load %arg10[%parallel_loop3A_55] {strides = array<i32>} : memref<1024xf32, #tpu.memory_space<vmem>>, vector<16xf32>,
      %parallel_loop3A_57 = vector.shape_cast %parallel_loop3A_56 : vector<16xf32> to vector<16xf32>
      %parallel_loop3A_58 = vector.shape_cast %parallel_loop3A_54 : vector<16xf32> to vector<16xf32>
      tpu.vector_store %arg10[%parallel_loop3A_55], %parallel_loop3A_58 {strides = array<i32>} : memref<1024xf32, #tpu.memory_space<vmem>>, vector<16xf32>,
    } {sc.loop_unroll_factor = 2 : i64, sc.parallel_access}
    "tpu.region"() ({
      %run_scoped3A = tpu.sem_alloc : memref<!tpu.dma_semaphore, #tpu.memory_space<semaphore_mem>>
      %dma_start3A_39 = tpu.memref_slice %arg6[%mul3A_2] : memref<16384xf32, #tpu.memory_space<hbm>> -> memref<1024xf32, #tpu.memory_space<hbm>>
      %dma_start3A_40 = tpu.memref_slice %arg6[%mul3A_2] : memref<16384xf32, #tpu.memory_space<hbm>> -> memref<1024xf32, #tpu.memory_space<hbm>>
      tpu.enqueue_dma source(%arg10 : memref<1024xf32, #tpu.memory_space<vmem>>) target(%dma_start3A_40 : memref<1024xf32, #tpu.memory_space<hbm>>) target_semaphore(%run_scoped3A : memref<!tpu.dma_semaphore, #tpu.memory_space<semaphore_mem>>)
      %dma_wait3A_41 = tpu.memref_slice %arg6[%mul3A_2] : memref<16384xf32, #tpu.memory_space<hbm>> -> memref<1024xf32, #tpu.memory_space<hbm>>
      %dma_wait3A_42 = tpu.memref_slice %arg6[%mul3A_2] : memref<16384xf32, #tpu.memory_space<hbm>> -> memref<1024xf32, #tpu.memory_space<hbm>>
      tpu.wait_dma2 semaphore(%run_scoped3A : memref<!tpu.dma_semaphore, #tpu.memory_space<semaphore_mem>>) src(%arg10 : memref<1024xf32, #tpu.memory_space<vmem>>) dst(%dma_wait3A_42 : memref<1024xf32, #tpu.memory_space<hbm>>)
      tpu.yield
    }) : () -> ()
    return
  }
}

</mosaic_0001>

<sc_bundles>
// kernel: kernel.3.cloned.1.call-start
scs
__scs_entry_jumppad:
0x0: {  	(pc) =	sbr.rel $0x88, $3  }
0x1: {  	(tag) =	ssettag $0x0;
	lr =	simm.s32 $0x1  }
0x2: {  	[smem:$0x3F9D] =	sst lr;
	_ =	strace $0xD0000000  }
0x3: {  	_ = 	snop  }
0x4: {  	_ = 	snop  }
0x5: {  	_ = 	snop  }
0x6: {  	_ = 	snop  }
0x7: {  	_ = 	snop  }
__scs_overlays_trampoline_lowered:
0x8: {  	[smem:$0x3FAC] =	sst s0  }
0x9: {  	[smem:$0x3FAD] =	sst s1  }
0xa: {  	[smem:$0x3FAE] =	sst s2  }
0xb: {  	[smem:$0x3FAF] =	sst s3  }
0xc: {  	[smem:$0x3FB0] =	sst s4  }
0xd: {  	[smem:$0x3FB1] =	sst s5  }
0xe: {  	[smem:$0x3FB2] =	sst s6  }
0xf: {  	[smem:$0x3FB3] =	sst s7  }
0x10: {  	[smem:$0x3FB4] =	sst s8  }
0x11: {  	[smem:$0x3FB5] =	sst s9;
	s0 =	simm.s32 @!p0 $0x0  }
0x12: {  	s1 =	sld [smem:$0x3F9B];
	s0 =	simm.s32 @p0 $0x1  }
0x13: {  	[smem:$0x3FB6] =	sst s0;
	s0 =	simm.s32 @!p1 $0x0  }
0x14: {  	s2 =	sld [smem:$0x3F9A];
	s0 =	simm.s32 @p1 $0x1  }
0x15: {  	[smem:$0x3FB7] =	sst s0;
	s0 =	simm.s32 @!p2 $0x0  }
0x16: {  	s3 =	sld [smem:$0x3FDB];
	s0 =	simm.s32 @p2 $0x1  }
0x17: {  	s4 =	simm.s32 $0x1BF5;
	[smem:$0x3FB9] =	sst s0  }
0x18: {  	s0 =	sld [smem:$0x3F9C];
	_ =	swait.ge [sflag:s4], $0x0  }
0x19: {  	s7 =	sld [smem:$0x3F9D]  }
0x1a: {  	s8 =	sadd.s32 $0xFFFFE003, lr  }
0x1b: {  	s9 =	sadd.s32 $0xFFFFFEF7, lr;
	s5 =	simm.s32 $0xFFFFFFFF;
	p2 =	slt.u32 s8, $0xFFFFF086  }
0x1c: {  	p1 =	slt.u32 s9, $0xF7A;
	s5 =	simm.s32 @!p2 $0x0  }
0x1d: {  	s5 =	simm.s32 @p1 $0x1;
	p0 =	seq.s32 s7, s2  }
0x1e: {  	s7 =	smul.u32 @!p0 $0xF7A, s2;
	p2 =	seq.s32 @!p0 s5, $0x0  }
0x1f: {  	s9 =	smul.u32 $0xF7A, s1;
	s8 =	simm.s32 @!p0 $0x1BF5;
	p2 =	por !p2, p0  }
0x20: {  	[sflag:s8] =	ssyncset.s32 @!p0 $0xFFFFF086;
	s6 =	sadd.s32 @!p0 s3, s7;
	s7 =	simm.s32 @!p0 $0x108  }
0x21: {  	s3 =	sadd.s32 s3, s9;
	s6 =	sadd.s32 @!p0 $0x88, s6;
	s7 =	simm.s32 @p2 $0x1082  }
0x22: {  	[simem:s7], [sflag:s8] =	dma.local @!p0 [hbm:s6], $0xF7A  }
0x23: {  	s9 =	sor.u32 $0xD0000000, s2;
	s6 =	simm.s32 $0x108;
	_ =	swait.ge @!p0 [sflag:s8], $0x0  }
0x24: {  	s3 =	sadd.s32 $0x88, s3;
	s6 =	simm.s32 @!p1 $0x1082;
	[sflag:s4] =	ssyncset.s32 $0xFFFFF086  }
0x25: {  	[simem:s6], [sflag:s4] =	dma.local [hbm:s3], $0xF7A  }
0x26: {  	[smem:$0x3F9D] =	sst s1;
	(tag) =	ssettag s2;
	_ =	strace s9  }
0x27: {  	s1 =	sld [smem:$0x3FAD]  }
0x28: {  	s2 =	sld [smem:$0x3FAE]  }
0x29: {  	s4 =	sld [smem:$0x3FB0]  }
0x2a: {  	p0 =	seq.s32 s5, $0x0;
	s5 =	sld [smem:$0x3FB1]  }
0x2b: {  	s6 =	sld [smem:$0x3FB2]  }
0x2c: {  	s7 =	sld [smem:$0x3FB3]  }
0x2d: {  	s3 =	simm.s32 $0x108;
	s8 =	sld [smem:$0x3FB4]  }
0x2e: {  	s3 =	simm.s32 @!p0 $0x1082;
	s9 =	sld [smem:$0x3FB5]  }
0x2f: {  	lr =	sadd.s32 s0, s3;
	s0 =	sld [smem:$0x3FAC]  }
0x30: {  	s3 =	sld [smem:$0x3FAF]  }
0x31: {  	[smem:$0x3FB8] =	sst s10  }
0x32: {  	s10 =	sld [smem:$0x3FB6];
	_ =	sdelay $0x3  }
0x33: {  	p0 =	seq.s32 s10, $0x1;
	s10 =	sld [smem:$0x3FB8];
	_ =	sdelay $0x3  }
0x34: {  	[smem:$0x3FB8] =	sst s10  }
0x35: {  	s10 =	sld [smem:$0x3FB7];
	_ =	sdelay $0x3  }
0x36: {  	p1 =	seq.s32 s10, $0x1;
	s10 =	sld [smem:$0x3FB8];
	_ =	sdelay $0x3  }
0x37: {  	[smem:$0x3FB8] =	sst s10  }
0x38: {  	s10 =	sld [smem:$0x3FB9]  }
0x39: {  	_ = 	snop;
	(pc) =	sbr.ind lr, $3  }
0x3a: {  	_ = 	snop  }
0x3b: {  	_ = 	snop  }
0x3c: {  	p2 =	seq.s32 s10, $0x1;
	s10 =	sld [smem:$0x3FB8]  }
0x3d: {  	_ =	shalt  }
0x3e: {  	_ =	shalt  }
0x3f: {  	_ =	shalt  }
0x40: {  	_ =	shalt  }
0x41: {  	_ =	shalt  }
0x42: {  	_ =	shalt  }
0x43: {  	_ =	shalt  }
0x44: {  	_ =	shalt  }
0x45: {  	_ =	shalt  }
0x46: {  	_ =	shalt  }
0x47: {  	_ =	shalt  }
0x48: {  	_ =	shalt  }
0x49: {  	_ =	shalt  }
0x4a: {  	_ =	shalt  }
0x4b: {  	_ =	shalt  }
0x4c: {  	_ =	shalt  }
0x4d: {  	_ =	shalt  }
0x4e: {  	_ =	shalt  }
0x4f: {  	_ =	shalt  }
0x50: {  	_ =	shalt  }
0x51: {  	_ =	shalt  }
0x52: {  	_ =	shalt  }
0x53: {  	_ =	shalt  }
0x54: {  	_ =	shalt  }
0x55: {  	_ =	shalt  }
0x56: {  	_ =	shalt  }
0x57: {  	_ =	shalt  }
0x58: {  	_ =	shalt  }
0x59: {  	_ =	shalt  }
0x5a: {  	_ =	shalt  }
0x5b: {  	_ =	shalt  }
0x5c: {  	_ =	shalt  }
0x5d: {  	_ =	shalt  }
0x5e: {  	_ =	shalt  }
0x5f: {  	_ =	shalt  }
0x60: {  	_ =	shalt  }
0x61: {  	_ =	shalt  }
0x62: {  	_ =	shalt  }
0x63: {  	_ =	shalt  }
0x64: {  	_ =	shalt  }
0x65: {  	_ =	shalt  }
0x66: {  	_ =	shalt  }
0x67: {  	_ =	shalt  }
0x68: {  	_ =	shalt  }
0x69: {  	_ =	shalt  }
0x6a: {  	_ =	shalt  }
0x6b: {  	_ =	shalt  }
0x6c: {  	_ =	shalt  }
0x6d: {  	_ =	shalt  }
0x6e: {  	_ =	shalt  }
0x6f: {  	_ =	shalt  }
0x70: {  	_ =	shalt  }
0x71: {  	_ =	shalt  }
0x72: {  	_ =	shalt  }
0x73: {  	_ =	shalt  }
0x74: {  	_ =	shalt  }
0x75: {  	_ =	shalt  }
0x76: {  	_ =	shalt  }
0x77: {  	_ =	shalt  }
0x78: {  	_ =	shalt  }
0x79: {  	_ =	shalt  }
0x7a: {  	_ =	shalt  }
0x7b: {  	_ =	shalt  }
0x7c: {  	_ =	shalt  }
0x7d: {  	_ =	shalt  }
0x7e: {  	_ =	shalt  }
0x7f: {  	_ =	shalt  }
0x80: {  	_ =	shalt  }
0x81: {  	_ =	shalt  }
0x82: {  	_ =	shalt  }
0x83: {  	_ =	shalt  }
0x84: {  	_ =	shalt  }
0x85: {  	_ =	shalt  }
0x86: {  	_ =	shalt  }
0x87: {  	_ =	shalt  }
.Lfunc_end0:
.L_simem_size_0:
called_computation_lowered:
.L_overlay_start_0:
0x88: {  	s0 =	sld [smem:$0x3FD9]  }
0x89: {  	s1 =	sld [smem:$0x3FFE];
	_ =	sdelay $0x3  }
0x8a: {  	s0 =	sadd.s32 s1, s0  }
0x8b: {  	[smem:$0x3FC4] =	sst s0  }
0x8c: {  	_ = 	snop  }
0x8d: {  	s0 =	sld [smem:$0x3FC9]  }
0x8e: {  	s17 =	sld [smem:$0x3FC8]  }
0x8f: {  	s2 =	sld [smem:$0x3FC7]  }
0x90: {  	s3 =	sld [smem:$0x3FC6]  }
0x91: {  	s4 =	sld [smem:$0x3FD0];
	(tm) =	ssettm $0x1  }
0x92: {  	s5 =	sld [smem:$0x3FFB];
	_ =	sdelay $0x3  }
0x93: {  	_ =	strace s5  }
0x94: {  	s5 =	sld [smem:$0x3FFC];
	_ =	sdelay $0x3  }
0x95: {  	_ =	strace s5  }
0x96: {  	s5 =	sld [smem:$0x3FFD];
	_ =	sdelay $0x3  }
0x97: {  	_ =	strace s5  }
0x98: {  	_ =	strace $0x8FFFFFFF  }
0x99: {  	s18 =	sld [smem:$0x3FDB];
	_ =	sdelay $0x1  }
0x9a: {  	s6 =	simm.s32 $_scs_section_size  }
0x9b: {  	s7 =	simm.s32 $_size__tile_overlayer_lowered;
	s8 =	simm.s32 $_tile_overlayer_lowered  }
0x9c: {  	s21 =	simm.s32 $0x1BFF;
	s20 =	sshll.u32 s8, $0x1;
	s5 =	sadd.s32 s6, s18  }
0x9d: {  	s9 =	simm.s32 $0x0;
	s19 =	sshll.u32 s7, $0x1;
	s7 =	sadd.s32 s20, s5  }
0x9e: {  	[timem:s9], [sflag:s21] =	dma.local [hbm:s7], s19  }
0x9f: {  	_ =	swait.ge [sflag:s21], s19  }
0xa0: {  	s6 =	ssub.s32 $0x0, s19;
	[sflag:s21] =	ssyncset.done $0x0  }
0xa1: {  	[sflag:s21] =	ssyncadd.s32 s6;
	_ =	sdelay $0x1  }
0xa2: {  	s22 =	simm.s32 $0x1B8B  }
0xa3: {  	_ =	swait.ge [sflag:s22], $0x1  }
0xa4: {  	[sflag:s22] =	ssyncset.done $0x0  }
0xa5: {  	s23 =	simm.s32 $0x1B8E;
	[sflag:s22] =	ssyncadd.s32 $0xFFFFFFFF  }
0xa6: {  	s24 =	simm.s32 $execute0_lowered;
	[smem:$0x3FD2] =	sst s23  }
0xa7: {  	s6 =	sshll.u32 s24, $0x1;
	_ =	strace $0x80000046;
	[dreg:$0x1] =	wrdreg $0xFFFFFFFF  }
0xa8: {  	s25 =	simm.s32 $_size_execute0_lowered;
	s5 =	sadd.s32 s5, s6;
	[dreg:$0x0] =	wrdreg $0x0  }
0xa9: {  	s6 =	sshll.u32 s25, $0x1;
	[dreg:$0x2] =	wrdreg s5  }
0xaa: {  	[dreg:$0x3] =	wrdreg s6  }
0xab: {  	[dreg:$0x4] =	wrdreg $0xC0  }
0xac: {  	_ =	task [dreg:s9], $0x5FFFF  }
0xad: {  	[dreg:$0x1] =	wrdreg $0xFFFFFFFF  }
0xae: {  	[dreg:$0x0] =	wrdreg $0x60  }
0xaf: {  	[dreg:$0x2] =	wrdreg s0  }
0xb0: {  	[dreg:$0x3] =	wrdreg s17  }
0xb1: {  	[dreg:$0x4] =	wrdreg s2  }
0xb2: {  	[dreg:$0x5] =	wrdreg s3  }
0xb3: {  	[dreg:$0x6] =	wrdreg s4  }
0xb4: {  	[dreg:$0x7] =	wrdreg $0x9  }
0xb5: {  	_ =	task.clear_ibuf [dreg:s9], $0x8FFFF;
	_ =	strace $0x90000046  }
0xb6: {  	s26 =	simm.s32 $0x9;
	_ =	strace $0x80000048  }
0xb7: {  	_ =	swait.ge [sflag:s26], $0x1  }
0xb8: {  	[sflag:s26] =	ssyncadd.s32 $0xFFFFFFFF  }
0xb9: {  	_ =	strace $0x90000048  }
0xba: {  	_ =	sfence  }
0xbb: {  	s28 =	sld [smem:$0x0];
	_ =	sdelay $0x1  }
0xbc: {  	s29 =	srdreg.scid  }
0xbd: {  	s30 =	sshll.u32 s29, $0xD;
	s31 =	sshrl.u32 s29, $0x2  }
0xbe: {  	s1 =	sand.u32 $0x1, s29;
	s2 =	sand.u32 $0x4000, s30;
	s0 =	sadd.s32 s31, s28  }
0xbf: {  	s1 =	sor.u32 s2, s1;
	s0 =	sshll.u32 s0, $0x11  }
0xc0: {  	s0 =	sor.u32 s0, s1  }
0xc1: {  	s0 =	sadd.s32 $0x8F2B, s0  }
0xc2: {  	[sflag:s0] =	ssyncadd.remote.s32 $0x1  }
0xc3: {  	_ =	sfence.sel $0xFFFF  }
0xc4: {  	[dreg:$0x0] =	wrdreg $0xFFFFFFFF;
	(pc) =	sbr.abs _section_cstart, $3  }
0xc5: {  	[dreg:$0x1] =	wrdreg $0xFFFFFFFF  }
0xc6: {  	_ =	task.clear_ibuf [dreg:s9], $0x2FFFF;
	_ =	strace $0x9FFFFFFF  }
0xc7: {  	(tm) =	ssettm $0x7FFFFFFF  }
tec
execute0_lowered:
.L_overlay_start_1:
0x0: {  	(tag) =	ssettag $0x1  }
0x1: {  	s4 =	rddreg [dreg:$0x0]  }
0x2: {  	s5 =	rddreg [dreg:$0x1]  }
0x3: {  	s6 =	rddreg [dreg:$0x2]  }
0x4: {  	s7 =	rddreg [dreg:$0x3]  }
0x5: {  	s2 =	rddreg [dreg:$0x4];
	s8 =	simm.s32 $0x0  }
0x6: {  	s1 =	stileid.u32;
	v0 =	vimm.s32 $0x0;
	[smem:$0x7FF] =	sst s8  }
0x7: {  	s0 =	rddreg [dreg:$0x5];
	s3 =	sshll.u32 s1, $0x7;
	_ =	strace $0x80000047;
	[tilespmem:$0x0] =	vst v0  }
0x8: {  	[tilespmem:s8], [sflag:$0x2] =	stream.linear.gather [hbm4b:s5+s8], $0x1, $0x38;
	[tilespmem:$0x580] =	vst v63  }
0x9: {  	s26 =	simm.s32 $0x180;
	s28 =	simm.s32 $0x2;
	s4 =	sadd.s32 s4, s3  }
0xa: {  	[tilespmem:s26], [sflag:$0x1] =	stream.linear.gather [hbm4b:s4+s8], $0x400, $0x38;
	[tilespmem:$0x580] =	vst v63  }
0xb: {  	_ =	swait.ge [sflag:s28], $0x1  }
0xc: {  	[sflag:s28] =	ssyncset.done $0x0  }
0xd: {  	s29 =	simm.s32 $0x10;
	s9 =	simm.s32 $0x80;
	[sflag:s28] =	ssyncadd.s32 $0xFFFFFFFF  }
0xe: {  	[tilespmem:s9], [sflag:$0x2] =	stream.indirect.gather [hbm4b:s6+s29], $0x1, s8, s29, $0xb8;
	[tilespmem:$0x580] =	vst v63  }
0xf: {  	s30 =	simm.s32 $0x100  }
0x10: {  	[tilespmem:s30], [sflag:$0x2] =	stream.indirect.gather [hbm4b:s7+s29], $0x1, s8, s29, $0xb8;
	[tilespmem:$0x580] =	vst v63  }
0x11: {  	_ =	swait.ge [sflag:s28], $0x10  }
0x12: {  	[sflag:s28] =	ssyncset.done $0x0  }
0x13: {  	[sflag:s28] =	ssyncadd.s32 $0xFFFFFFF0  }
0x14: {  	_ =	swait.ge [sflag:s28], $0x10  }
0x15: {  	[sflag:s28] =	ssyncset.done $0x0  }
0x16: {  	[sflag:s28] =	ssyncadd.s32 $0xFFFFFFF0  }
0x17: {  	s31 =	simm.s32 $0x1;
	v2 =	vld [tilespmem:$0x80]  }
0x18: {  	v1 =	vld [tilespmem:$0x100];
	_ =	swait.ge [sflag:s31], $0x400  }
0x19: {  	[sflag:s31] =	ssyncset.done $0x0  }
0x1a: {  	s4 =	simm.s32 $0x190;
	[sflag:s31] =	ssyncadd.s32 $0xFFFFFC00  }
0x1b: {  	v3 =	vld [tilespmem:s4+$0xFFFFFFF0];
	_ =	sdelay $0x2  }
0x1c: {  	v4 =	vld [tilespmem:s4+$0x0];
	v1 =	vperm.xlane v1, v0;
	_ =	sdelay $0x1  }
0x1d: {  	s5 =	simm.s32 $0x1B0;
	v0 =	vperm.xlane v2, v0;
	v2 =	vmul.f32 v3, v1  }
0x1e: {  	v5 =	vld [tilespmem:s5+$0x0]  }
0x1f: {  	v3 =	vld [tilespmem:s5+$0xFFFFFFF0];
	v2 =	vadd.f32 v2, v0  }
0x20: {  	s6 =	simm.s32 $0x1D0;
	v4 =	vmul.f32 v4, v1  }
0x21: {  	v6 =	vld [tilespmem:s6+$0xFFFFFFF0];
	v2 =	vsub.f32 $0.0e+00, v2  }
0x22: {  	v7 =	vld [tilespmem:s6+$0x0];
	v4 =	vadd.f32 v4, v0  }
0x23: {  	v2 =	vmul.f32 $1.442695020e+00, v2  }
0x24: {  	v5 =	vmul.f32 v5, v1;
	v4 =	vsub.f32 $0.0e+00, v4;
	v3 =	vmul.f32 v3, v1  }
0x25: {  	(erf) = vpow2.f32 v2  }
0x26: {  	v3 =	vadd.f32 v3, v0;
	v2 =	vmul.f32 $1.442695020e+00, v4;
	v4 =	vadd.f32 v5, v0  }
0x27: {  	s7 =	simm.s32 $0x1F0;
	v5 =	vmul.f32 v6, v1;
	v6 =	vmul.f32 v7, v1  }
0x28: {  	v7 =	vld [tilespmem:s7+$0x0];
	v3 =	vsub.f32 $0.0e+00, v3;
	(erf) = vpow2.f32 v2;
	v2 =	vsub.f32 $0.0e+00, v4  }
0x29: {  	v4 =	vld [tilespmem:s7+$0xFFFFFFF0]  }
0x2a: {  	v3 =	vmul.f32 $1.442695020e+00, v3;
	v2 =	vmul.f32 $1.442695020e+00, v2  }
0x2b: {  	v5 =	vadd.f32 v5, v0  }
0x2c: {  	(erf) = vpow2.f32 v3  }
0x2d: {  	s8 =	simm.s32 $0x210;
	v3 =	vsub.f32 $0.0e+00, v5;
	v5 =	vadd.f32 v6, v0;
	v7 =	vmul.f32 v7, v1  }
0x2e: {  	v6 =	vld [tilespmem:s8+$0xFFFFFFF0];
	(erf) = vpow2.f32 v2;
	v4 =	vmul.f32 v4, v1;
	v2 =	vpop (erf)  }
0x2f: {  	v3 =	vmul.f32 $1.442695020e+00, v3;
	v5 =	vsub.f32 $0.0e+00, v5;
	v2 =	vadd.f32 $1.000000000e+00, v2  }
0x30: {  	v4 =	vadd.f32 v4, v0  }
0x31: {  	(erf) = vpow2.f32 v3;
	v3 =	vmul.f32 $1.442695020e+00, v5;
	v5 =	vadd.f32 v7, v0  }
0x32: {  	v8 =	vld [tilespmem:s8+$0x0]  }
0x33: {  	v6 =	vmul.f32 v6, v1;
	v4 =	vsub.f32 $0.0e+00, v4;
	(erf) = vrcp.f32 v2;
	v2 =	vpop (erf)  }
0x34: {  	(erf) = vpow2.f32 v3;
	v3 =	vsub.f32 $0.0e+00, v5;
	v2 =	vadd.f32 $1.000000000e+00, v2  }
0x35: {  	s9 =	simm.s32 $0x230;
	v6 =	vadd.f32 v6, v0;
	v4 =	vmul.f32 $1.442695020e+00, v4;
	v5 =	vpop (erf)  }
0x36: {  	v7 =	vld [tilespmem:s9+$0xFFFFFFF0];
	v3 =	vmul.f32 $1.442695020e+00, v3;
	(erf) = vrcp.f32 v2;
	v2 =	vadd.f32 $1.000000000e+00, v5  }
0x37: {  	v5 =	vmul.f32 v8, v1;
	v8 =	vpop (erf);
	(erf) = vpow2.f32 v4  }
0x38: {  	v4 =	vadd.f32 $1.000000000e+00, v8;
	(erf) = vrcp.f32 v2;
	v2 =	vsub.f32 $0.0e+00, v6  }
0x39: {  	(erf) = vpow2.f32 v3;
	v3 =	vld [tilespmem:s9+$0x0]  }
0x3a: {  	v8 =	vpop (erf);
	v5 =	vadd.f32 v5, v0;
	(erf) = vrcp.f32 v4  }
0x3b: {  	v6 =	vmul.f32 v7, v1  }
0x3c: {  	s10 =	simm.s32 $0xA0;
	s11 =	simm.s32 $0x250;
	v5 =	vsub.f32 $0.0e+00, v5;
	v7 =	vmul.f32 $1.442695020e+00, v2;
	v4 =	vadd.f32 $1.000000000e+00, v8;
	v2 =	vpop (erf)  }
.LBB2_1:
0x3d: {  	s10 =	sadd.s32 $0x20, s10  }
0x3e: {  	v8 =	vld [tilespmem:s11+$0xFFFFFFF0];
	v9 =	vmul.f32 v3, v1;
	v5 =	vmul.f32 $1.442695020e+00, v5;
	v10 =	vpop (erf);
	p0 =	slt.u32 s10, $0x3E0  }
.Ltmp0:
0x3f: {  	v3 =	vld [tilespmem:s11+$0x0];
	v6 =	vadd.f32 v6, v0;
	(erf) = vpow2.f32 v7;
	v7 =	vadd.f32 $1.000000000e+00, v10;
	[tilespmem:s4+$0xFFFFFFF0] =	vst v2;
	v2 =	vpop (erf);
	(pc) =	sbr.rel @p0 .LBB2_1-.Ltmp0, $4  }
0x40: {  	v9 =	vadd.f32 v9, v0;
	(erf) = vrcp.f32 v4;
	[tilespmem:s4+$0x0] =	vst v2;
	s4 =	smov.u32 s5;
	s5 =	smov.u32 s6;
	s6 =	smov.u32 s7  }
0x41: {  	s7 =	smov.u32 s8;
	s8 =	smov.u32 s9;
	s9 =	smov.u32 s11;
	v10 =	vsub.f32 $0.0e+00, v6;
	(erf) = vpow2.f32 v5  }
0x42: {  	v5 =	vsub.f32 $0.0e+00, v9;
	v4 =	vpop (erf);
	(erf) = vrcp.f32 v7  }
0x43: {  	s11 =	sadd.s32 $0x20, s11;
	v6 =	vmul.f32 v8, v1;
	v7 =	vmul.f32 $1.442695020e+00, v10;
	v4 =	vadd.f32 $1.000000000e+00, v4;
	v2 =	vpop (erf)  }
0x44: {  	_ = 	snop  }
0x45: {  	v1 =	vmul.f32 v3, v1;
	v40 =	vadd.f32 v6, v0  }
0x46: {  	v5 =	vmul.f32 $1.442695020e+00, v5  }
0x47: {  	v41 =	vpop (erf);
	(erf) = vpow2.f32 v7;
	v42 =	vadd.f32 v1, v0;
	v43 =	vsub.f32 $0.0e+00, v40  }
0x48: {  	v44 =	vadd.f32 $1.000000000e+00, v41;
	v45 =	vpop (erf);
	(erf) = vrcp.f32 v4  }
0x49: {  	(erf) = vpow2.f32 v5;
	v0 =	vsub.f32 $0.0e+00, v42;
	v46 =	vpop (erf);
	v1 =	vmul.f32 $1.442695020e+00, v43  }
0x4a: {  	(erf) = vrcp.f32 v44;
	v47 =	vadd.f32 $1.000000000e+00, v46  }
0x4b: {  	v0 =	vmul.f32 $1.442695020e+00, v0;
	(erf) = vpow2.f32 v1  }
0x4c: {  	(erf) = vrcp.f32 v47  }
0x4d: {  	v48 =	vpop (erf);
	(erf) = vpow2.f32 v0  }
0x4e: {  	v49 =	vpop (erf)  }
0x4f: {  	v50 =	vpop (erf)  }
0x50: {  	v51 =	vpop (erf)  }
0x51: {  	v52 =	vpop (erf)  }
0x52: {  	v53 =	vpop (erf)  }
0x53: {  	v0 =	vadd.f32 $1.000000000e+00, v49;
	v8 =	vpop (erf)  }
0x54: {  	v4 =	vadd.f32 $1.000000000e+00, v51;
	v9 =	vpop (erf)  }
0x55: {  	(erf) = vrcp.f32 v0;
	v54 =	vadd.f32 $1.000000000e+00, v53;
	v55 =	vpop (erf)  }
0x56: {  	(erf) = vrcp.f32 v4;
	v56 =	vadd.f32 $1.000000000e+00, v9;
	v57 =	vpop (erf)  }
0x57: {  	(erf) = vrcp.f32 v54;
	v58 =	vadd.f32 $1.000000000e+00, v57  }
0x58: {  	[tilespmem:s4+$0xFFFFFFF0] =	vst v2;
	(erf) = vrcp.f32 v56  }
0x59: {  	[tilespmem:s4+$0x0] =	vst v45;
	(erf) = vrcp.f32 v58  }
0x5a: {  	[tilespmem:s5+$0xFFFFFFF0] =	vst v48  }
0x5b: {  	[tilespmem:s5+$0x0] =	vst v50  }
0x5c: {  	[tilespmem:s6+$0xFFFFFFF0] =	vst v52  }
0x5d: {  	[tilespmem:s6+$0x0] =	vst v8  }
0x5e: {  	[tilespmem:s7+$0xFFFFFFF0] =	vst v55;
	v59 =	vpop (erf)  }
0x5f: {  	[tilespmem:s7+$0x0] =	vst v59;
	v60 =	vpop (erf)  }
0x60: {  	[tilespmem:s8+$0xFFFFFFF0] =	vst v60;
	v61 =	vpop (erf)  }
0x61: {  	[tilespmem:s8+$0x0] =	vst v61;
	v62 =	vpop (erf)  }
0x62: {  	s2 =	sadd.s32 s2, s3;
	[tilespmem:s9+$0xFFFFFFF0] =	vst v62;
	v63 =	vpop (erf)  }
0x63: {  	s29 =	simm.s32 $0x0;
	s30 =	simm.s32 $0x180;
	s31 =	simm.s32 $0x3;
	[tilespmem:s9+$0x0] =	vst v63  }
0x64: {  	[hbm4b:s2+s29] =	stream.linear.scatter [tilespmem:s30], [sflag:$0x3], $0x400, $0x38;
	[tilespmem:$0x580] =	vst v63  }
0x65: {  	_ =	swait.ge [sflag:s31], $0x400  }
0x66: {  	[sflag:s31] =	ssyncset.done $0x0  }
0x67: {  	[sflag:s31] =	ssyncadd.s32 $0xFFFFFC00  }
0x68: {  	_ =	sfence.sel $0x180000  }
0x69: {  	[bflag:$0x0] =	sbarrier.arrive $0xFFFF  }
0x6a: {  	p0 =	sne.s32 s1, $0x0;
	_ =	strace $0x90000047  }
0x6b: {  	s0 =	sadd.s32 @!p0 $0x100000, s0;
	[bflag:$0x2] =	sbarrier.arrive $0xFFFF  }
0x6c: {  	[sflag:s0] =	ssyncadd.tile.s32 @!p0 $0x1;
	_ =	shalt  }
.Lfunc_end2:
_tile_overlayer_lowered:
.L_overlay_start_2:
0x6d: {  	(tag) =	ssettag $0x2  }
0x6e: {  	s0 =	rddreg [dreg:$0x0];
	s2 =	stileid.u32  }
0x6f: {  	s1 =	rddreg [dreg:$0x1];
	p0 =	sne.s32 s2, $0x0  }
0x70: {  	s3 =	rddreg [dreg:$0x2];
	[bflag:$0x3] =	sbarrier.arrive $0xFFFF;
	s2 =	simm.s32 @!p0 $0x1C03  }
0x71: {  	[timem:s3], [sflag:s2] =	dma.local @!p0 [hbm:s0], s1  }
0x72: {  	s0 =	simm.s32 @!p0 $0x3  }
0x73: {  	_ =	swait.ge @!p0 [sflag:s0], s1  }
0x74: {  	s1 =	ssub.s32 @!p0 $0x0, s1;
	[sflag:s0] =	ssyncset.done @!p0 $0x0  }
0x75: {  	[sflag:s0] =	ssyncadd.s32 @!p0 s1  }
0x76: {  	[bflag:$0x3] =	sbarrier.arrive $0xFFFF  }
0x77: {  	_ =	shalt  }

</sc_bundles>
